<compile_context>
chip_gen: v7x
topology: tpu7x:2x2x1
jax: 0.10.2.dev20260603
libtpu: 0.0.44.dev20260713+nightly
codegen_flags: <defaults>
</compile_context>

<pallas_src>
import functools

import jax
import jax.numpy as jnp
from jax import lax
from jax.experimental import pallas as pl
from jax.experimental.pallas import tpu as pltpu
from jax.experimental.pallas import tpu_sc as plsc

N = 32768
D = 256
H = 128
M = 16
BLK = 16384

NS = 16
L = 16


def _mlp_body(x_ref, w1_ref, b1_ref, w2_ref, b2_ref, y_ref):
    x = x_ref[...].astype(jnp.bfloat16)
    h = jnp.dot(x, w1_ref[...].astype(jnp.bfloat16),
                preferred_element_type=jnp.float32)
    h = h + b1_ref[...]
    h = h * jax.nn.sigmoid(h)
    y = jnp.dot(h, w2_ref[...], preferred_element_type=jnp.float32)
    y_ref[...] = y + b2_ref[...]


def _mlp(x, w1, b1, w2, b2):
    return pl.pallas_call(
        _mlp_body,
        grid=(N // BLK,),
        in_specs=[
            pl.BlockSpec((BLK, D), lambda i: (i, 0)),
            pl.BlockSpec((D, H), lambda i: (0, 0)),
            pl.BlockSpec((1, H), lambda i: (0, 0)),
            pl.BlockSpec((H, 1), lambda i: (0, 0)),
            pl.BlockSpec((1, 1), lambda i: (0, 0)),
        ],
        out_specs=pl.BlockSpec((BLK, 1), lambda i: (i, 0)),
        out_shape=jax.ShapeDtypeStruct((N, 1), jnp.float32),
        compiler_params=pltpu.CompilerParams(skip_device_barrier=True, vmem_limit_bytes=67108864),
    )(x, w1, b1.reshape(1, H), w2, b2.reshape(1, 1))


CHUNK1 = N // NS


@functools.partial(
    pl.kernel,
    mesh=plsc.VectorSubcoreMesh(core_axis_name="c", subcore_axis_name="s",
                                num_cores=1),
    out_type=jax.ShapeDtypeStruct((M,), jnp.float32),
    scratch_types=[
        pltpu.VMEM((CHUNK1,), jnp.float32),
        pltpu.VMEM((CHUNK1,), jnp.int32),
        pltpu.VMEM((128,), jnp.float32),
        pltpu.VMEM((128,), jnp.float32),
        pltpu.VMEM((NS, 128), jnp.float32),
        pltpu.VMEM_SHARED((NS, 128), jnp.float32),
        pltpu.SemaphoreType.DMA,
        pltpu.SemaphoreType.DMA,
    ],
    compiler_params=pltpu.CompilerParams(needs_layout_passes=False,
                                         skip_device_barrier=True),
)
def _sc_segsum(y_hbm, idx_hbm, out_hbm, y_v, idx_v, acc_v, acc2_v, red_v,
               shared, sem1, sem2):
    s = lax.axis_index("s")
    base = s * CHUNK1
    cp1 = pltpu.async_copy(y_hbm.at[pl.ds(base, CHUNK1)], y_v, sem1)
    cp2 = pltpu.async_copy(idx_hbm.at[pl.ds(base, CHUNK1)], idx_v, sem2)
    for j in range(128 // L):
        acc_v[pl.ds(j * L, L)] = jnp.zeros((L,), jnp.float32)
        acc2_v[pl.ds(j * L, L)] = jnp.zeros((L,), jnp.float32)
    cp1.wait()
    cp2.wait()

    def body(j, carry):
        off = 2 * j * L
        plsc.addupdate_scatter(acc_v, [idx_v[pl.ds(off, L)]],
                               y_v[pl.ds(off, L)])
        plsc.addupdate_scatter(acc2_v, [idx_v[pl.ds(off + L, L)]],
                               y_v[pl.ds(off + L, L)])
        return carry

    lax.fori_loop(0, CHUNK1 // (2 * L), body, 0, unroll=8)
    acc_v[pl.ds(0, M)] = acc_v[pl.ds(0, M)] + acc2_v[pl.ds(0, M)]

    pltpu.sync_copy(acc_v, shared.at[s])
    plsc.subcore_barrier()

    @pl.when(s == 0)
    def _reduce():
        pltpu.sync_copy(shared, red_v)
        total = red_v[0, pl.ds(0, M)]
        for j in range(1, NS):
            total = total + red_v[j, pl.ds(0, M)]
        acc_v[pl.ds(0, M)] = total
        pltpu.sync_copy(acc_v.at[pl.ds(0, M)], out_hbm)


def kernel(scalar_representation, idx_m, W1, b1, W2, b2):
    y = _mlp(scalar_representation, W1, b1, W2, b2)
    return _sc_segsum(y.reshape(N), idx_m.astype(jnp.int32))

# --- scband reference (transcript-rebuilt; emitter-appended) ---
"""Pipeline reference for scband-atomwise-74165495267439 (READ-ONLY COPY).

The authoritative reference and input builder live on the scoring server;
editing this copy changes nothing except your own understanding.
"""

import jax, jax.numpy as jnp
import numpy as np

N = 32768   # total atoms (RAGGED: 16 molecules * 4096 max atoms / 2)
D = 256     # n_in
H = 128     # pyramidal hidden: n_in // 2 (n_layers=2)
M = 16      # number of molecules (segments)


def setup_inputs(seed: int = 0) -> dict:
    key = jax.random.key(seed)
    ks = jax.random.split(key, 5)
    scalar_representation = jax.random.normal(ks[0], (N, D), dtype=jnp.float32)
    idx_m = jnp.sort(jax.random.randint(ks[1], (N,), 0, M)).astype(jnp.int64)
    # MLP params (pyramidal: 256 -> 128 -> 1), Dense layers with bias
    W1 = jax.random.normal(ks[2], (D, H), dtype=jnp.float32) * (1.0 / np.sqrt(D))
    b1 = jnp.zeros((H,), dtype=jnp.float32)
    W2 = jax.random.normal(ks[3], (H, 1), dtype=jnp.float32) * (1.0 / np.sqrt(H))
    b2 = jnp.zeros((1,), dtype=jnp.float32)
    return {
        "scalar_representation": scalar_representation,
        "idx_m": idx_m,
        "W1": W1,
        "b1": b1,
        "W2": W2,
        "b2": b2,
    }


def reference(scalar_representation, idx_m, W1, b1, W2, b2):
    # outnet: spk.nn.MLP(n_in=256, n_out=1, n_layers=2, activation=silu)
    h = jax.nn.silu(scalar_representation @ W1 + b1)
    y = h @ W2 + b2  # [N, 1] per-atom contributions
    # aggregation_mode == 'sum': scatter-add per-atom values into per-molecule slots
    maxm = M  # static: int(idx_m[-1]) + 1
    tmp = jnp.zeros((maxm, 1), dtype=y.dtype)
    y = tmp.at[idx_m].add(y)  # torch.index_add(0, idx_m, y)
    y = jnp.squeeze(y, -1)    # [M]
    return y

if __name__ == "__main__":
    import jax
    _d = setup_inputs()
    print(jax.jit(kernel)(*tuple(_d.values())))

</pallas_src>

<mosaic_0001>
#map = affine_map<(d0, d1) -> (0)>
module attributes {stable_mosaic.version = 14 : i64} {
  func.func @_sc_segsum(%arg0: i32, %arg1: i32, %arg2: memref<32768xf32, #tpu.memory_space<hbm>>, %arg3: memref<32768xi32, #tpu.memory_space<hbm>>, %arg4: memref<16xf32, #tpu.memory_space<hbm>>, %arg5: memref<2048xf32, #tpu.memory_space<vmem>>, %arg6: memref<2048xi32, #tpu.memory_space<vmem>>, %arg7: memref<128xf32, #tpu.memory_space<vmem>>, %arg8: memref<128xf32, #tpu.memory_space<vmem>>, %arg9: memref<16x128xf32, #tpu.memory_space<vmem>>, %arg10: memref<16x128xf32, #tpu.memory_space<vmem_shared>>, %arg11: memref<!tpu.dma_semaphore, #tpu.memory_space<semaphore_mem>>, %arg12: memref<!tpu.dma_semaphore, #tpu.memory_space<semaphore_mem>>) attributes {dimension_semantics = [#tpu.dimension_semantics<core_parallel>, #tpu.dimension_semantics<subcore_parallel>], iteration_bounds = array<i64: 1, 16>, scalar_prefetch = 0 : i64, scratch_operands = 8 : i64, tpu.core_type = #tpu.core_type<sc_vector_subcore>, window_params = [{transform_indices = #map}, {transform_indices = #map}, {transform_indices = #map}]} {
    %mul3A = arith.constant 2048 : i32
    %mul3A_0 = arith.muli %arg1, %mul3A : i32
    %dma_start3A = tpu.memref_slice %arg2[%mul3A_0] : memref<32768xf32, #tpu.memory_space<hbm>> -> memref<2048xf32, #tpu.memory_space<hbm>>
    %dma_start3A_1 = tpu.memref_slice %arg2[%mul3A_0] : memref<32768xf32, #tpu.memory_space<hbm>> -> memref<2048xf32, #tpu.memory_space<hbm>>
    tpu.enqueue_dma source(%dma_start3A_1 : memref<2048xf32, #tpu.memory_space<hbm>>) target(%arg5 : memref<2048xf32, #tpu.memory_space<vmem>>) target_semaphore(%arg11 : memref<!tpu.dma_semaphore, #tpu.memory_space<semaphore_mem>>)
    %dma_start3A_2 = tpu.memref_slice %arg3[%mul3A_0] : memref<32768xi32, #tpu.memory_space<hbm>> -> memref<2048xi32, #tpu.memory_space<hbm>>
    %dma_start3A_3 = tpu.memref_slice %arg3[%mul3A_0] : memref<32768xi32, #tpu.memory_space<hbm>> -> memref<2048xi32, #tpu.memory_space<hbm>>
    tpu.enqueue_dma source(%dma_start3A_3 : memref<2048xi32, #tpu.memory_space<hbm>>) target(%arg6 : memref<2048xi32, #tpu.memory_space<vmem>>) target_semaphore(%arg12 : memref<!tpu.dma_semaphore, #tpu.memory_space<semaphore_mem>>)
    %broadcast_in_dim3A = arith.constant 0.000000e+00 : f32
    %broadcast_in_dim3A_4 = vector.broadcast %broadcast_in_dim3A : f32 to vector<16xf32>
    %swap3A = arith.constant 0 : index
    %swap3A_5 = tpu.vector_load %arg7[%swap3A] {strides = array<i32>} : memref<128xf32, #tpu.memory_space<vmem>>, vector<16xf32>,
    tpu.vector_store %arg7[%swap3A], %broadcast_in_dim3A_4 {strides = array<i32>} : memref<128xf32, #tpu.memory_space<vmem>>, vector<16xf32>,
    %broadcast_in_dim3A_6 = arith.constant 0.000000e+00 : f32
    %broadcast_in_dim3A_7 = vector.broadcast %broadcast_in_dim3A_6 : f32 to vector<16xf32>
    %swap3A_8 = arith.constant 0 : index
    %swap3A_9 = tpu.vector_load %arg8[%swap3A_8] {strides = array<i32>} : memref<128xf32, #tpu.memory_space<vmem>>, vector<16xf32>,
    tpu.vector_store %arg8[%swap3A_8], %broadcast_in_dim3A_7 {strides = array<i32>} : memref<128xf32, #tpu.memory_space<vmem>>, vector<16xf32>,
    %broadcast_in_dim3A_10 = arith.constant 0.000000e+00 : f32
    %broadcast_in_dim3A_11 = vector.broadcast %broadcast_in_dim3A_10 : f32 to vector<16xf32>
    %swap3A_12 = arith.constant 16 : index
    %swap3A_13 = tpu.vector_load %arg7[%swap3A_12] {strides = array<i32>} : memref<128xf32, #tpu.memory_space<vmem>>, vector<16xf32>,
    tpu.vector_store %arg7[%swap3A_12], %broadcast_in_dim3A_11 {strides = array<i32>} : memref<128xf32, #tpu.memory_space<vmem>>, vector<16xf32>,
    %broadcast_in_dim3A_14 = arith.constant 0.000000e+00 : f32
    %broadcast_in_dim3A_15 = vector.broadcast %broadcast_in_dim3A_14 : f32 to vector<16xf32>
    %swap3A_16 = arith.constant 16 : index
    %swap3A_17 = tpu.vector_load %arg8[%swap3A_16] {strides = array<i32>} : memref<128xf32, #tpu.memory_space<vmem>>, vector<16xf32>,
    tpu.vector_store %arg8[%swap3A_16], %broadcast_in_dim3A_15 {strides = array<i32>} : memref<128xf32, #tpu.memory_space<vmem>>, vector<16xf32>,
    %broadcast_in_dim3A_18 = arith.constant 0.000000e+00 : f32
    %broadcast_in_dim3A_19 = vector.broadcast %broadcast_in_dim3A_18 : f32 to vector<16xf32>
    %swap3A_20 = arith.constant 32 : index
    %swap3A_21 = tpu.vector_load %arg7[%swap3A_20] {strides = array<i32>} : memref<128xf32, #tpu.memory_space<vmem>>, vector<16xf32>,
    tpu.vector_store %arg7[%swap3A_20], %broadcast_in_dim3A_19 {strides = array<i32>} : memref<128xf32, #tpu.memory_space<vmem>>, vector<16xf32>,
    %broadcast_in_dim3A_22 = arith.constant 0.000000e+00 : f32
    %broadcast_in_dim3A_23 = vector.broadcast %broadcast_in_dim3A_22 : f32 to vector<16xf32>
    %swap3A_24 = arith.constant 32 : index
    %swap3A_25 = tpu.vector_load %arg8[%swap3A_24] {strides = array<i32>} : memref<128xf32, #tpu.memory_space<vmem>>, vector<16xf32>,
    tpu.vector_store %arg8[%swap3A_24], %broadcast_in_dim3A_23 {strides = array<i32>} : memref<128xf32, #tpu.memory_space<vmem>>, vector<16xf32>,
    %broadcast_in_dim3A_26 = arith.constant 0.000000e+00 : f32
    %broadcast_in_dim3A_27 = vector.broadcast %broadcast_in_dim3A_26 : f32 to vector<16xf32>
    %swap3A_28 = arith.constant 48 : index
    %swap3A_29 = tpu.vector_load %arg7[%swap3A_28] {strides = array<i32>} : memref<128xf32, #tpu.memory_space<vmem>>, vector<16xf32>,
    tpu.vector_store %arg7[%swap3A_28], %broadcast_in_dim3A_27 {strides = array<i32>} : memref<128xf32, #tpu.memory_space<vmem>>, vector<16xf32>,
    %broadcast_in_dim3A_30 = arith.constant 0.000000e+00 : f32
    %broadcast_in_dim3A_31 = vector.broadcast %broadcast_in_dim3A_30 : f32 to vector<16xf32>
    %swap3A_32 = arith.constant 48 : index
    %swap3A_33 = tpu.vector_load %arg8[%swap3A_32] {strides = array<i32>} : memref<128xf32, #tpu.memory_space<vmem>>, vector<16xf32>,
    tpu.vector_store %arg8[%swap3A_32], %broadcast_in_dim3A_31 {strides = array<i32>} : memref<128xf32, #tpu.memory_space<vmem>>, vector<16xf32>,
    %broadcast_in_dim3A_34 = arith.constant 0.000000e+00 : f32
    %broadcast_in_dim3A_35 = vector.broadcast %broadcast_in_dim3A_34 : f32 to vector<16xf32>
    %swap3A_36 = arith.constant 64 : index
    %swap3A_37 = tpu.vector_load %arg7[%swap3A_36] {strides = array<i32>} : memref<128xf32, #tpu.memory_space<vmem>>, vector<16xf32>,
    tpu.vector_store %arg7[%swap3A_36], %broadcast_in_dim3A_35 {strides = array<i32>} : memref<128xf32, #tpu.memory_space<vmem>>, vector<16xf32>,
    %broadcast_in_dim3A_38 = arith.constant 0.000000e+00 : f32
    %broadcast_in_dim3A_39 = vector.broadcast %broadcast_in_dim3A_38 : f32 to vector<16xf32>
    %swap3A_40 = arith.constant 64 : index
    %swap3A_41 = tpu.vector_load %arg8[%swap3A_40] {strides = array<i32>} : memref<128xf32, #tpu.memory_space<vmem>>, vector<16xf32>,
    tpu.vector_store %arg8[%swap3A_40], %broadcast_in_dim3A_39 {strides = array<i32>} : memref<128xf32, #tpu.memory_space<vmem>>, vector<16xf32>,
    %broadcast_in_dim3A_42 = arith.constant 0.000000e+00 : f32
    %broadcast_in_dim3A_43 = vector.broadcast %broadcast_in_dim3A_42 : f32 to vector<16xf32>
    %swap3A_44 = arith.constant 80 : index
    %swap3A_45 = tpu.vector_load %arg7[%swap3A_44] {strides = array<i32>} : memref<128xf32, #tpu.memory_space<vmem>>, vector<16xf32>,
    tpu.vector_store %arg7[%swap3A_44], %broadcast_in_dim3A_43 {strides = array<i32>} : memref<128xf32, #tpu.memory_space<vmem>>, vector<16xf32>,
    %broadcast_in_dim3A_46 = arith.constant 0.000000e+00 : f32
    %broadcast_in_dim3A_47 = vector.broadcast %broadcast_in_dim3A_46 : f32 to vector<16xf32>
    %swap3A_48 = arith.constant 80 : index
    %swap3A_49 = tpu.vector_load %arg8[%swap3A_48] {strides = array<i32>} : memref<128xf32, #tpu.memory_space<vmem>>, vector<16xf32>,
    tpu.vector_store %arg8[%swap3A_48], %broadcast_in_dim3A_47 {strides = array<i32>} : memref<128xf32, #tpu.memory_space<vmem>>, vector<16xf32>,
    %broadcast_in_dim3A_50 = arith.constant 0.000000e+00 : f32
    %broadcast_in_dim3A_51 = vector.broadcast %broadcast_in_dim3A_50 : f32 to vector<16xf32>
    %swap3A_52 = arith.constant 96 : index
    %swap3A_53 = tpu.vector_load %arg7[%swap3A_52] {strides = array<i32>} : memref<128xf32, #tpu.memory_space<vmem>>, vector<16xf32>,
    tpu.vector_store %arg7[%swap3A_52], %broadcast_in_dim3A_51 {strides = array<i32>} : memref<128xf32, #tpu.memory_space<vmem>>, vector<16xf32>,
    %broadcast_in_dim3A_54 = arith.constant 0.000000e+00 : f32
    %broadcast_in_dim3A_55 = vector.broadcast %broadcast_in_dim3A_54 : f32 to vector<16xf32>
    %swap3A_56 = arith.constant 96 : index
    %swap3A_57 = tpu.vector_load %arg8[%swap3A_56] {strides = array<i32>} : memref<128xf32, #tpu.memory_space<vmem>>, vector<16xf32>,
    tpu.vector_store %arg8[%swap3A_56], %broadcast_in_dim3A_55 {strides = array<i32>} : memref<128xf32, #tpu.memory_space<vmem>>, vector<16xf32>,
    %broadcast_in_dim3A_58 = arith.constant 0.000000e+00 : f32
    %broadcast_in_dim3A_59 = vector.broadcast %broadcast_in_dim3A_58 : f32 to vector<16xf32>
    %swap3A_60 = arith.constant 112 : index
    %swap3A_61 = tpu.vector_load %arg7[%swap3A_60] {strides = array<i32>} : memref<128xf32, #tpu.memory_space<vmem>>, vector<16xf32>,
    tpu.vector_store %arg7[%swap3A_60], %broadcast_in_dim3A_59 {strides = array<i32>} : memref<128xf32, #tpu.memory_space<vmem>>, vector<16xf32>,
    %broadcast_in_dim3A_62 = arith.constant 0.000000e+00 : f32
    %broadcast_in_dim3A_63 = vector.broadcast %broadcast_in_dim3A_62 : f32 to vector<16xf32>
    %swap3A_64 = arith.constant 112 : index
    %swap3A_65 = tpu.vector_load %arg8[%swap3A_64] {strides = array<i32>} : memref<128xf32, #tpu.memory_space<vmem>>, vector<16xf32>,
    tpu.vector_store %arg8[%swap3A_64], %broadcast_in_dim3A_63 {strides = array<i32>} : memref<128xf32, #tpu.memory_space<vmem>>, vector<16xf32>,
    %dma_wait3A = tpu.memref_slice %arg2[%mul3A_0] : memref<32768xf32, #tpu.memory_space<hbm>> -> memref<2048xf32, #tpu.memory_space<hbm>>
    %dma_wait3A_66 = tpu.memref_slice %arg2[%mul3A_0] : memref<32768xf32, #tpu.memory_space<hbm>> -> memref<2048xf32, #tpu.memory_space<hbm>>
    tpu.wait_dma2 semaphore(%arg11 : memref<!tpu.dma_semaphore, #tpu.memory_space<semaphore_mem>>) src(%dma_wait3A_66 : memref<2048xf32, #tpu.memory_space<hbm>>) dst(%arg5 : memref<2048xf32, #tpu.memory_space<vmem>>)
    %dma_wait3A_67 = tpu.memref_slice %arg3[%mul3A_0] : memref<32768xi32, #tpu.memory_space<hbm>> -> memref<2048xi32, #tpu.memory_space<hbm>>
    %dma_wait3A_68 = tpu.memref_slice %arg3[%mul3A_0] : memref<32768xi32, #tpu.memory_space<hbm>> -> memref<2048xi32, #tpu.memory_space<hbm>>
    tpu.wait_dma2 semaphore(%arg12 : memref<!tpu.dma_semaphore, #tpu.memory_space<semaphore_mem>>) src(%dma_wait3A_68 : memref<2048xi32, #tpu.memory_space<hbm>>) dst(%arg6 : memref<2048xi32, #tpu.memory_space<vmem>>)
    %scan3A = arith.constant 0 : i32
    %scan3A_69 = arith.constant 0 : i32
    %scan3A_70 = arith.constant 64 : i32
    %scan3A_71 = arith.addi %scan3A_69, %scan3A_70 : i32
    %scan3A_72 = arith.constant 8 : i32
    scf.for %scan3A_81 = %scan3A_69 to %scan3A_71 step %scan3A_72  : i32 {
      %mul3A_82 = arith.constant 2 : i32
      %mul3A_83 = arith.muli %mul3A_82, %scan3A_81 : i32
      %mul3A_84 = arith.constant 16 : i32
      %mul3A_85 = arith.muli %mul3A_83, %mul3A_84 : i32
      %get3A_86 = arith.index_cast %mul3A_85 : i32 to index
      %get3A_87 = tpu.vector_load %arg6[%get3A_86] {strides = array<i32>} : memref<2048xi32, #tpu.memory_space<vmem>>, vector<16xi32>,
      %get3A_88 = arith.index_cast %mul3A_85 : i32 to index
      %get3A_89 = tpu.vector_load %arg5[%get3A_88] {strides = array<i32>} : memref<2048xf32, #tpu.memory_space<vmem>>, vector<16xf32>,
      tpu.vector_store_idx %arg7[%get3A_87], %get3A_89 {add = true} : memref<128xf32, #tpu.memory_space<vmem>>[vector<16xi32>], vector<16xf32>,
      %add3A_90 = arith.constant 16 : i32
      %add3A_91 = arith.addi %mul3A_85, %add3A_90 : i32
      %get3A_92 = arith.index_cast %add3A_91 : i32 to index
      %get3A_93 = tpu.vector_load %arg6[%get3A_92] {strides = array<i32>} : memref<2048xi32, #tpu.memory_space<vmem>>, vector<16xi32>,
      %add3A_94 = arith.constant 16 : i32
      %add3A_95 = arith.addi %mul3A_85, %add3A_94 : i32
      %get3A_96 = arith.index_cast %add3A_95 : i32 to index
      %get3A_97 = tpu.vector_load %arg5[%get3A_96] {strides = array<i32>} : memref<2048xf32, #tpu.memory_space<vmem>>, vector<16xf32>,
      tpu.vector_store_idx %arg8[%get3A_93], %get3A_97 {add = true} : memref<128xf32, #tpu.memory_space<vmem>>[vector<16xi32>], vector<16xf32>,
      %scan3A_98 = arith.constant 1 : i32
      %scan3A_99 = arith.addi %scan3A_81, %scan3A_98 : i32
      %mul3A_100 = arith.constant 2 : i32
      %mul3A_101 = arith.muli %mul3A_100, %scan3A_99 : i32
      %mul3A_102 = arith.constant 16 : i32
      %mul3A_103 = arith.muli %mul3A_101, %mul3A_102 : i32
      %get3A_104 = arith.index_cast %mul3A_103 : i32 to index
      %get3A_105 = tpu.vector_load %arg6[%get3A_104] {strides = array<i32>} : memref<2048xi32, #tpu.memory_space<vmem>>, vector<16xi32>,
      %get3A_106 = arith.index_cast %mul3A_103 : i32 to index
      %get3A_107 = tpu.vector_load %arg5[%get3A_106] {strides = array<i32>} : memref<2048xf32, #tpu.memory_space<vmem>>, vector<16xf32>,
      tpu.vector_store_idx %arg7[%get3A_105], %get3A_107 {add = true} : memref<128xf32, #tpu.memory_space<vmem>>[vector<16xi32>], vector<16xf32>,
      %add3A_108 = arith.constant 16 : i32
      %add3A_109 = arith.addi %mul3A_103, %add3A_108 : i32
      %get3A_110 = arith.index_cast %add3A_109 : i32 to index
      %get3A_111 = tpu.vector_load %arg6[%get3A_110] {strides = array<i32>} : memref<2048xi32, #tpu.memory_space<vmem>>, vector<16xi32>,
      %add3A_112 = arith.constant 16 : i32
      %add3A_113 = arith.addi %mul3A_103, %add3A_112 : i32
      %get3A_114 = arith.index_cast %add3A_113 : i32 to index
      %get3A_115 = tpu.vector_load %arg5[%get3A_114] {strides = array<i32>} : memref<2048xf32, #tpu.memory_space<vmem>>, vector<16xf32>,
      tpu.vector_store_idx %arg8[%get3A_111], %get3A_115 {add = true} : memref<128xf32, #tpu.memory_space<vmem>>[vector<16xi32>], vector<16xf32>,
      %scan3A_116 = arith.constant 2 : i32
      %scan3A_117 = arith.addi %scan3A_81, %scan3A_116 : i32
      %mul3A_118 = arith.constant 2 : i32
      %mul3A_119 = arith.muli %mul3A_118, %scan3A_117 : i32
      %mul3A_120 = arith.constant 16 : i32
      %mul3A_121 = arith.muli %mul3A_119, %mul3A_120 : i32
      %get3A_122 = arith.index_cast %mul3A_121 : i32 to index
      %get3A_123 = tpu.vector_load %arg6[%get3A_122] {strides = array<i32>} : memref<2048xi32, #tpu.memory_space<vmem>>, vector<16xi32>,
      %get3A_124 = arith.index_cast %mul3A_121 : i32 to index
      %get3A_125 = tpu.vector_load %arg5[%get3A_124] {strides = array<i32>} : memref<2048xf32, #tpu.memory_space<vmem>>, vector<16xf32>,
      tpu.vector_store_idx %arg7[%get3A_123], %get3A_125 {add = true} : memref<128xf32, #tpu.memory_space<vmem>>[vector<16xi32>], vector<16xf32>,
      %add3A_126 = arith.constant 16 : i32
      %add3A_127 = arith.addi %mul3A_121, %add3A_126 : i32
      %get3A_128 = arith.index_cast %add3A_127 : i32 to index
      %get3A_129 = tpu.vector_load %arg6[%get3A_128] {strides = array<i32>} : memref<2048xi32, #tpu.memory_space<vmem>>, vector<16xi32>,
      %add3A_130 = arith.constant 16 : i32
      %add3A_131 = arith.addi %mul3A_121, %add3A_130 : i32
      %get3A_132 = arith.index_cast %add3A_131 : i32 to index
      %get3A_133 = tpu.vector_load %arg5[%get3A_132] {strides = array<i32>} : memref<2048xf32, #tpu.memory_space<vmem>>, vector<16xf32>,
      tpu.vector_store_idx %arg8[%get3A_129], %get3A_133 {add = true} : memref<128xf32, #tpu.memory_space<vmem>>[vector<16xi32>], vector<16xf32>,
      %scan3A_134 = arith.constant 3 : i32
      %scan3A_135 = arith.addi %scan3A_81, %scan3A_134 : i32
      %mul3A_136 = arith.constant 2 : i32
      %mul3A_137 = arith.muli %mul3A_136, %scan3A_135 : i32
      %mul3A_138 = arith.constant 16 : i32
      %mul3A_139 = arith.muli %mul3A_137, %mul3A_138 : i32
      %get3A_140 = arith.index_cast %mul3A_139 : i32 to index
      %get3A_141 = tpu.vector_load %arg6[%get3A_140] {strides = array<i32>} : memref<2048xi32, #tpu.memory_space<vmem>>, vector<16xi32>,
      %get3A_142 = arith.index_cast %mul3A_139 : i32 to index
      %get3A_143 = tpu.vector_load %arg5[%get3A_142] {strides = array<i32>} : memref<2048xf32, #tpu.memory_space<vmem>>, vector<16xf32>,
      tpu.vector_store_idx %arg7[%get3A_141], %get3A_143 {add = true} : memref<128xf32, #tpu.memory_space<vmem>>[vector<16xi32>], vector<16xf32>,
      %add3A_144 = arith.constant 16 : i32
      %add3A_145 = arith.addi %mul3A_139, %add3A_144 : i32
      %get3A_146 = arith.index_cast %add3A_145 : i32 to index
      %get3A_147 = tpu.vector_load %arg6[%get3A_146] {strides = array<i32>} : memref<2048xi32, #tpu.memory_space<vmem>>, vector<16xi32>,
      %add3A_148 = arith.constant 16 : i32
      %add3A_149 = arith.addi %mul3A_139, %add3A_148 : i32
      %get3A_150 = arith.index_cast %add3A_149 : i32 to index
      %get3A_151 = tpu.vector_load %arg5[%get3A_150] {strides = array<i32>} : memref<2048xf32, #tpu.memory_space<vmem>>, vector<16xf32>,
      tpu.vector_store_idx %arg8[%get3A_147], %get3A_151 {add = true} : memref<128xf32, #tpu.memory_space<vmem>>[vector<16xi32>], vector<16xf32>,
      %scan3A_152 = arith.constant 4 : i32
      %scan3A_153 = arith.addi %scan3A_81, %scan3A_152 : i32
      %mul3A_154 = arith.constant 2 : i32
      %mul3A_155 = arith.muli %mul3A_154, %scan3A_153 : i32
      %mul3A_156 = arith.constant 16 : i32
      %mul3A_157 = arith.muli %mul3A_155, %mul3A_156 : i32
      %get3A_158 = arith.index_cast %mul3A_157 : i32 to index
      %get3A_159 = tpu.vector_load %arg6[%get3A_158] {strides = array<i32>} : memref<2048xi32, #tpu.memory_space<vmem>>, vector<16xi32>,
      %get3A_160 = arith.index_cast %mul3A_157 : i32 to index
      %get3A_161 = tpu.vector_load %arg5[%get3A_160] {strides = array<i32>} : memref<2048xf32, #tpu.memory_space<vmem>>, vector<16xf32>,
      tpu.vector_store_idx %arg7[%get3A_159], %get3A_161 {add = true} : memref<128xf32, #tpu.memory_space<vmem>>[vector<16xi32>], vector<16xf32>,
      %add3A_162 = arith.constant 16 : i32
      %add3A_163 = arith.addi %mul3A_157, %add3A_162 : i32
      %get3A_164 = arith.index_cast %add3A_163 : i32 to index
      %get3A_165 = tpu.vector_load %arg6[%get3A_164] {strides = array<i32>} : memref<2048xi32, #tpu.memory_space<vmem>>, vector<16xi32>,
      %add3A_166 = arith.constant 16 : i32
      %add3A_167 = arith.addi %mul3A_157, %add3A_166 : i32
      %get3A_168 = arith.index_cast %add3A_167 : i32 to index
      %get3A_169 = tpu.vector_load %arg5[%get3A_168] {strides = array<i32>} : memref<2048xf32, #tpu.memory_space<vmem>>, vector<16xf32>,
      tpu.vector_store_idx %arg8[%get3A_165], %get3A_169 {add = true} : memref<128xf32, #tpu.memory_space<vmem>>[vector<16xi32>], vector<16xf32>,
      %scan3A_170 = arith.constant 5 : i32
      %scan3A_171 = arith.addi %scan3A_81, %scan3A_170 : i32
      %mul3A_172 = arith.constant 2 : i32
      %mul3A_173 = arith.muli %mul3A_172, %scan3A_171 : i32
      %mul3A_174 = arith.constant 16 : i32
      %mul3A_175 = arith.muli %mul3A_173, %mul3A_174 : i32
      %get3A_176 = arith.index_cast %mul3A_175 : i32 to index
      %get3A_177 = tpu.vector_load %arg6[%get3A_176] {strides = array<i32>} : memref<2048xi32, #tpu.memory_space<vmem>>, vector<16xi32>,
      %get3A_178 = arith.index_cast %mul3A_175 : i32 to index
      %get3A_179 = tpu.vector_load %arg5[%get3A_178] {strides = array<i32>} : memref<2048xf32, #tpu.memory_space<vmem>>, vector<16xf32>,
      tpu.vector_store_idx %arg7[%get3A_177], %get3A_179 {add = true} : memref<128xf32, #tpu.memory_space<vmem>>[vector<16xi32>], vector<16xf32>,
      %add3A_180 = arith.constant 16 : i32
      %add3A_181 = arith.addi %mul3A_175, %add3A_180 : i32
      %get3A_182 = arith.index_cast %add3A_181 : i32 to index
      %get3A_183 = tpu.vector_load %arg6[%get3A_182] {strides = array<i32>} : memref<2048xi32, #tpu.memory_space<vmem>>, vector<16xi32>,
      %add3A_184 = arith.constant 16 : i32
      %add3A_185 = arith.addi %mul3A_175, %add3A_184 : i32
      %get3A_186 = arith.index_cast %add3A_185 : i32 to index
      %get3A_187 = tpu.vector_load %arg5[%get3A_186] {strides = array<i32>} : memref<2048xf32, #tpu.memory_space<vmem>>, vector<16xf32>,
      tpu.vector_store_idx %arg8[%get3A_183], %get3A_187 {add = true} : memref<128xf32, #tpu.memory_space<vmem>>[vector<16xi32>], vector<16xf32>,
      %scan3A_188 = arith.constant 6 : i32
      %scan3A_189 = arith.addi %scan3A_81, %scan3A_188 : i32
      %mul3A_190 = arith.constant 2 : i32
      %mul3A_191 = arith.muli %mul3A_190, %scan3A_189 : i32
      %mul3A_192 = arith.constant 16 : i32
      %mul3A_193 = arith.muli %mul3A_191, %mul3A_192 : i32
      %get3A_194 = arith.index_cast %mul3A_193 : i32 to index
      %get3A_195 = tpu.vector_load %arg6[%get3A_194] {strides = array<i32>} : memref<2048xi32, #tpu.memory_space<vmem>>, vector<16xi32>,
      %get3A_196 = arith.index_cast %mul3A_193 : i32 to index
      %get3A_197 = tpu.vector_load %arg5[%get3A_196] {strides = array<i32>} : memref<2048xf32, #tpu.memory_space<vmem>>, vector<16xf32>,
      tpu.vector_store_idx %arg7[%get3A_195], %get3A_197 {add = true} : memref<128xf32, #tpu.memory_space<vmem>>[vector<16xi32>], vector<16xf32>,
      %add3A_198 = arith.constant 16 : i32
      %add3A_199 = arith.addi %mul3A_193, %add3A_198 : i32
      %get3A_200 = arith.index_cast %add3A_199 : i32 to index
      %get3A_201 = tpu.vector_load %arg6[%get3A_200] {strides = array<i32>} : memref<2048xi32, #tpu.memory_space<vmem>>, vector<16xi32>,
      %add3A_202 = arith.constant 16 : i32
      %add3A_203 = arith.addi %mul3A_193, %add3A_202 : i32
      %get3A_204 = arith.index_cast %add3A_203 : i32 to index
      %get3A_205 = tpu.vector_load %arg5[%get3A_204] {strides = array<i32>} : memref<2048xf32, #tpu.memory_space<vmem>>, vector<16xf32>,
      tpu.vector_store_idx %arg8[%get3A_201], %get3A_205 {add = true} : memref<128xf32, #tpu.memory_space<vmem>>[vector<16xi32>], vector<16xf32>,
      %scan3A_206 = arith.constant 7 : i32
      %scan3A_207 = arith.addi %scan3A_81, %scan3A_206 : i32
      %mul3A_208 = arith.constant 2 : i32
      %mul3A_209 = arith.muli %mul3A_208, %scan3A_207 : i32
      %mul3A_210 = arith.constant 16 : i32
      %mul3A_211 = arith.muli %mul3A_209, %mul3A_210 : i32
      %get3A_212 = arith.index_cast %mul3A_211 : i32 to index
      %get3A_213 = tpu.vector_load %arg6[%get3A_212] {strides = array<i32>} : memref<2048xi32, #tpu.memory_space<vmem>>, vector<16xi32>,
      %get3A_214 = arith.index_cast %mul3A_211 : i32 to index
      %get3A_215 = tpu.vector_load %arg5[%get3A_214] {strides = array<i32>} : memref<2048xf32, #tpu.memory_space<vmem>>, vector<16xf32>,
      tpu.vector_store_idx %arg7[%get3A_213], %get3A_215 {add = true} : memref<128xf32, #tpu.memory_space<vmem>>[vector<16xi32>], vector<16xf32>,
      %add3A_216 = arith.constant 16 : i32
      %add3A_217 = arith.addi %mul3A_211, %add3A_216 : i32
      %get3A_218 = arith.index_cast %add3A_217 : i32 to index
      %get3A_219 = tpu.vector_load %arg6[%get3A_218] {strides = array<i32>} : memref<2048xi32, #tpu.memory_space<vmem>>, vector<16xi32>,
      %add3A_220 = arith.constant 16 : i32
      %add3A_221 = arith.addi %mul3A_211, %add3A_220 : i32
      %get3A_222 = arith.index_cast %add3A_221 : i32 to index
      %get3A_223 = tpu.vector_load %arg5[%get3A_222] {strides = array<i32>} : memref<2048xf32, #tpu.memory_space<vmem>>, vector<16xf32>,
      tpu.vector_store_idx %arg8[%get3A_219], %get3A_223 {add = true} : memref<128xf32, #tpu.memory_space<vmem>>[vector<16xi32>], vector<16xf32>,
    }
    %scan3A_73 = arith.constant 64 : i32
    %get3A = arith.constant 0 : index
    %get3A_74 = tpu.vector_load %arg7[%get3A] {strides = array<i32>} : memref<128xf32, #tpu.memory_space<vmem>>, vector<16xf32>,
    %get3A_75 = arith.constant 0 : index
    %get3A_76 = tpu.vector_load %arg8[%get3A_75] {strides = array<i32>} : memref<128xf32, #tpu.memory_space<vmem>>, vector<16xf32>,
    %add3A = arith.addf %get3A_74, %get3A_76 : vector<16xf32>
    %swap3A_77 = arith.constant 0 : index
    %swap3A_78 = tpu.vector_load %arg7[%swap3A_77] {strides = array<i32>} : memref<128xf32, #tpu.memory_space<vmem>>, vector<16xf32>,
    tpu.vector_store %arg7[%swap3A_77], %add3A {strides = array<i32>} : memref<128xf32, #tpu.memory_space<vmem>>, vector<16xf32>,
    "tpu.region"() ({
      %run_scoped3A = tpu.sem_alloc : memref<!tpu.dma_semaphore, #tpu.memory_space<semaphore_mem>>
      %dma_start3A_81 = arith.constant 0 : i32
      %dma_start3A_82 = tpu.memref_slice %arg10[%arg1, %dma_start3A_81] : memref<16x128xf32, #tpu.memory_space<vmem_shared>> -> memref<1x128xf32, #tpu.memory_space<vmem_shared>>
      %dma_start3A_83 = tpu.memref_squeeze %dma_start3A_82 : memref<1x128xf32, #tpu.memory_space<vmem_shared>> -> memref<128xf32, #tpu.memory_space<vmem_shared>>
      %dma_start3A_84 = arith.constant 0 : i32
      %dma_start3A_85 = tpu.memref_slice %arg10[%arg1, %dma_start3A_84] : memref<16x128xf32, #tpu.memory_space<vmem_shared>> -> memref<1x128xf32, #tpu.memory_space<vmem_shared>>
      %dma_start3A_86 = tpu.memref_squeeze %dma_start3A_85 : memref<1x128xf32, #tpu.memory_space<vmem_shared>> -> memref<128xf32, #tpu.memory_space<vmem_shared>>
      tpu.enqueue_dma source(%arg7 : memref<128xf32, #tpu.memory_space<vmem>>) target(%dma_start3A_86 : memref<128xf32, #tpu.memory_space<vmem_shared>>) target_semaphore(%run_scoped3A : memref<!tpu.dma_semaphore, #tpu.memory_space<semaphore_mem>>)
      %dma_wait3A_87 = arith.constant 0 : i32
      %dma_wait3A_88 = tpu.memref_slice %arg10[%arg1, %dma_wait3A_87] : memref<16x128xf32, #tpu.memory_space<vmem_shared>> -> memref<1x128xf32, #tpu.memory_space<vmem_shared>>
      %dma_wait3A_89 = tpu.memref_squeeze %dma_wait3A_88 : memref<1x128xf32, #tpu.memory_space<vmem_shared>> -> memref<128xf32, #tpu.memory_space<vmem_shared>>
      %dma_wait3A_90 = arith.constant 0 : i32
      %dma_wait3A_91 = tpu.memref_slice %arg10[%arg1, %dma_wait3A_90] : memref<16x128xf32, #tpu.memory_space<vmem_shared>> -> memref<1x128xf32, #tpu.memory_space<vmem_shared>>
      %dma_wait3A_92 = tpu.memref_squeeze %dma_wait3A_91 : memref<1x128xf32, #tpu.memory_space<vmem_shared>> -> memref<128xf32, #tpu.memory_space<vmem_shared>>
      tpu.wait_dma2 semaphore(%run_scoped3A : memref<!tpu.dma_semaphore, #tpu.memory_space<semaphore_mem>>) src(%arg7 : memref<128xf32, #tpu.memory_space<vmem>>) dst(%dma_wait3A_92 : memref<128xf32, #tpu.memory_space<vmem_shared>>)
      tpu.yield
    }) : () -> ()
    %barrier3A = arith.constant 0 : index
    tpu.barrier barrier_id(%barrier3A)
    %eq3A = arith.constant 0 : i32
    %eq3A_79 = arith.cmpi eq, %arg1, %eq3A : i32
    %convert_element_type3A = arith.extui %eq3A_79 : i1 to i32
    %cond3A = arith.constant 0 : i32
    %cond3A_80 = arith.cmpi ne, %convert_element_type3A, %cond3A : i32
    scf.if %cond3A_80 {
      "tpu.region"() ({
        %run_scoped3A = tpu.sem_alloc : memref<!tpu.dma_semaphore, #tpu.memory_space<semaphore_mem>>
        tpu.enqueue_dma source(%arg10 : memref<16x128xf32, #tpu.memory_space<vmem_shared>>) target(%arg9 : memref<16x128xf32, #tpu.memory_space<vmem>>) target_semaphore(%run_scoped3A : memref<!tpu.dma_semaphore, #tpu.memory_space<semaphore_mem>>)
        tpu.wait_dma2 semaphore(%run_scoped3A : memref<!tpu.dma_semaphore, #tpu.memory_space<semaphore_mem>>) src(%arg10 : memref<16x128xf32, #tpu.memory_space<vmem_shared>>) dst(%arg9 : memref<16x128xf32, #tpu.memory_space<vmem>>)
        tpu.yield
      }) : () -> ()
      %get3A_81 = arith.constant 0 : i32
      %get3A_82 = arith.index_cast %get3A_81 : i32 to index
      %get3A_83 = arith.constant 0 : index
      %get3A_84 = tpu.vector_load %arg9[%get3A_82, %get3A_83] {strides = array<i32>} : memref<16x128xf32, #tpu.memory_space<vmem>>, vector<16xf32>,
      %get3A_85 = arith.constant 1 : i32
      %get3A_86 = arith.index_cast %get3A_85 : i32 to index
      %get3A_87 = arith.constant 0 : index
      %get3A_88 = tpu.vector_load %arg9[%get3A_86, %get3A_87] {strides = array<i32>} : memref<16x128xf32, #tpu.memory_space<vmem>>, vector<16xf32>,
      %add3A_89 = arith.addf %get3A_84, %get3A_88 : vector<16xf32>
      %get3A_90 = arith.constant 2 : i32
      %get3A_91 = arith.index_cast %get3A_90 : i32 to index
      %get3A_92 = arith.constant 0 : index
      %get3A_93 = tpu.vector_load %arg9[%get3A_91, %get3A_92] {strides = array<i32>} : memref<16x128xf32, #tpu.memory_space<vmem>>, vector<16xf32>,
      %add3A_94 = arith.addf %add3A_89, %get3A_93 : vector<16xf32>
      %get3A_95 = arith.constant 3 : i32
      %get3A_96 = arith.index_cast %get3A_95 : i32 to index
      %get3A_97 = arith.constant 0 : index
      %get3A_98 = tpu.vector_load %arg9[%get3A_96, %get3A_97] {strides = array<i32>} : memref<16x128xf32, #tpu.memory_space<vmem>>, vector<16xf32>,
      %add3A_99 = arith.addf %add3A_94, %get3A_98 : vector<16xf32>
      %get3A_100 = arith.constant 4 : i32
      %get3A_101 = arith.index_cast %get3A_100 : i32 to index
      %get3A_102 = arith.constant 0 : index
      %get3A_103 = tpu.vector_load %arg9[%get3A_101, %get3A_102] {strides = array<i32>} : memref<16x128xf32, #tpu.memory_space<vmem>>, vector<16xf32>,
      %add3A_104 = arith.addf %add3A_99, %get3A_103 : vector<16xf32>
      %get3A_105 = arith.constant 5 : i32
      %get3A_106 = arith.index_cast %get3A_105 : i32 to index
      %get3A_107 = arith.constant 0 : index
      %get3A_108 = tpu.vector_load %arg9[%get3A_106, %get3A_107] {strides = array<i32>} : memref<16x128xf32, #tpu.memory_space<vmem>>, vector<16xf32>,
      %add3A_109 = arith.addf %add3A_104, %get3A_108 : vector<16xf32>
      %get3A_110 = arith.constant 6 : i32
      %get3A_111 = arith.index_cast %get3A_110 : i32 to index
      %get3A_112 = arith.constant 0 : index
      %get3A_113 = tpu.vector_load %arg9[%get3A_111, %get3A_112] {strides = array<i32>} : memref<16x128xf32, #tpu.memory_space<vmem>>, vector<16xf32>,
      %add3A_114 = arith.addf %add3A_109, %get3A_113 : vector<16xf32>
      %get3A_115 = arith.constant 7 : i32
      %get3A_116 = arith.index_cast %get3A_115 : i32 to index
      %get3A_117 = arith.constant 0 : index
      %get3A_118 = tpu.vector_load %arg9[%get3A_116, %get3A_117] {strides = array<i32>} : memref<16x128xf32, #tpu.memory_space<vmem>>, vector<16xf32>,
      %add3A_119 = arith.addf %add3A_114, %get3A_118 : vector<16xf32>
      %get3A_120 = arith.constant 8 : i32
      %get3A_121 = arith.index_cast %get3A_120 : i32 to index
      %get3A_122 = arith.constant 0 : index
      %get3A_123 = tpu.vector_load %arg9[%get3A_121, %get3A_122] {strides = array<i32>} : memref<16x128xf32, #tpu.memory_space<vmem>>, vector<16xf32>,
      %add3A_124 = arith.addf %add3A_119, %get3A_123 : vector<16xf32>
      %get3A_125 = arith.constant 9 : i32
      %get3A_126 = arith.index_cast %get3A_125 : i32 to index
      %get3A_127 = arith.constant 0 : index
      %get3A_128 = tpu.vector_load %arg9[%get3A_126, %get3A_127] {strides = array<i32>} : memref<16x128xf32, #tpu.memory_space<vmem>>, vector<16xf32>,
      %add3A_129 = arith.addf %add3A_124, %get3A_128 : vector<16xf32>
      %get3A_130 = arith.constant 10 : i32
      %get3A_131 = arith.index_cast %get3A_130 : i32 to index
      %get3A_132 = arith.constant 0 : index
      %get3A_133 = tpu.vector_load %arg9[%get3A_131, %get3A_132] {strides = array<i32>} : memref<16x128xf32, #tpu.memory_space<vmem>>, vector<16xf32>,
      %add3A_134 = arith.addf %add3A_129, %get3A_133 : vector<16xf32>
      %get3A_135 = arith.constant 11 : i32
      %get3A_136 = arith.index_cast %get3A_135 : i32 to index
      %get3A_137 = arith.constant 0 : index
      %get3A_138 = tpu.vector_load %arg9[%get3A_136, %get3A_137] {strides = array<i32>} : memref<16x128xf32, #tpu.memory_space<vmem>>, vector<16xf32>,
      %add3A_139 = arith.addf %add3A_134, %get3A_138 : vector<16xf32>
      %get3A_140 = arith.constant 12 : i32
      %get3A_141 = arith.index_cast %get3A_140 : i32 to index
      %get3A_142 = arith.constant 0 : index
      %get3A_143 = tpu.vector_load %arg9[%get3A_141, %get3A_142] {strides = array<i32>} : memref<16x128xf32, #tpu.memory_space<vmem>>, vector<16xf32>,
      %add3A_144 = arith.addf %add3A_139, %get3A_143 : vector<16xf32>
      %get3A_145 = arith.constant 13 : i32
      %get3A_146 = arith.index_cast %get3A_145 : i32 to index
      %get3A_147 = arith.constant 0 : index
      %get3A_148 = tpu.vector_load %arg9[%get3A_146, %get3A_147] {strides = array<i32>} : memref<16x128xf32, #tpu.memory_space<vmem>>, vector<16xf32>,
      %add3A_149 = arith.addf %add3A_144, %get3A_148 : vector<16xf32>
      %get3A_150 = arith.constant 14 : i32
      %get3A_151 = arith.index_cast %get3A_150 : i32 to index
      %get3A_152 = arith.constant 0 : index
      %get3A_153 = tpu.vector_load %arg9[%get3A_151, %get3A_152] {strides = array<i32>} : memref<16x128xf32, #tpu.memory_space<vmem>>, vector<16xf32>,
      %add3A_154 = arith.addf %add3A_149, %get3A_153 : vector<16xf32>
      %get3A_155 = arith.constant 15 : i32
      %get3A_156 = arith.index_cast %get3A_155 : i32 to index
      %get3A_157 = arith.constant 0 : index
      %get3A_158 = tpu.vector_load %arg9[%get3A_156, %get3A_157] {strides = array<i32>} : memref<16x128xf32, #tpu.memory_space<vmem>>, vector<16xf32>,
      %add3A_159 = arith.addf %add3A_154, %get3A_158 : vector<16xf32>
      %swap3A_160 = arith.constant 0 : index
      %swap3A_161 = tpu.vector_load %arg7[%swap3A_160] {strides = array<i32>} : memref<128xf32, #tpu.memory_space<vmem>>, vector<16xf32>,
      tpu.vector_store %arg7[%swap3A_160], %add3A_159 {strides = array<i32>} : memref<128xf32, #tpu.memory_space<vmem>>, vector<16xf32>,
      "tpu.region"() ({
        %run_scoped3A = tpu.sem_alloc : memref<!tpu.dma_semaphore, #tpu.memory_space<semaphore_mem>>
        %dma_start3A_162 = arith.constant 0 : i32
        %dma_start3A_163 = tpu.memref_slice %arg7[%dma_start3A_162] : memref<128xf32, #tpu.memory_space<vmem>> -> memref<16xf32, #tpu.memory_space<vmem>>
        %dma_start3A_164 = arith.constant 0 : i32
        %dma_start3A_165 = tpu.memref_slice %arg7[%dma_start3A_164] : memref<128xf32, #tpu.memory_space<vmem>> -> memref<16xf32, #tpu.memory_space<vmem>>
        tpu.enqueue_dma source(%dma_start3A_165 : memref<16xf32, #tpu.memory_space<vmem>>) target(%arg4 : memref<16xf32, #tpu.memory_space<hbm>>) target_semaphore(%run_scoped3A : memref<!tpu.dma_semaphore, #tpu.memory_space<semaphore_mem>>)
        %dma_wait3A_166 = arith.constant 0 : i32
        %dma_wait3A_167 = tpu.memref_slice %arg7[%dma_wait3A_166] : memref<128xf32, #tpu.memory_space<vmem>> -> memref<16xf32, #tpu.memory_space<vmem>>
        %dma_wait3A_168 = arith.constant 0 : i32
        %dma_wait3A_169 = tpu.memref_slice %arg7[%dma_wait3A_168] : memref<128xf32, #tpu.memory_space<vmem>> -> memref<16xf32, #tpu.memory_space<vmem>>
        tpu.wait_dma2 semaphore(%run_scoped3A : memref<!tpu.dma_semaphore, #tpu.memory_space<semaphore_mem>>) src(%dma_wait3A_169 : memref<16xf32, #tpu.memory_space<vmem>>) dst(%arg4 : memref<16xf32, #tpu.memory_space<hbm>>)
        tpu.yield
      }) : () -> ()
    } else {
    }
    return
  }
}

module attributes {stable_mosaic.version = 14 : i64} {
  func.func @_mlp_body(%arg0: i32, %arg1: memref<16384x256xf32, #tpu.memory_space<vmem>>, %arg2: memref<256x128xf32, #tpu.memory_space<vmem>>, %arg3: memref<1x128xf32, #tpu.memory_space<vmem>>, %arg4: memref<128x1xf32, #tpu.memory_space<vmem>>, %arg5: memref<1x1xf32, #tpu.memory_space<vmem>>, %arg6: memref<16384x1xf32, #tpu.memory_space<vmem>>) attributes {dimension_semantics = [#tpu.dimension_semantics<arbitrary>], iteration_bounds = array<i64: 2>, scalar_prefetch = 0 : i64, scratch_operands = 0 : i64, tpu.core_type = #tpu.core_type<tc>, window_params = [{transform_indices = @transform_0, window_bounds = array<i64: 16384, 256>}, {pipeline_mode = #tpu.pipeline_mode<synchronous>, transform_indices = @transform_1, window_bounds = array<i64: 256, 128>}, {pipeline_mode = #tpu.pipeline_mode<synchronous>, transform_indices = @transform_2, window_bounds = array<i64: 1, 128>}, {pipeline_mode = #tpu.pipeline_mode<synchronous>, transform_indices = @transform_3, window_bounds = array<i64: 128, 1>}, {pipeline_mode = #tpu.pipeline_mode<synchronous>, transform_indices = @transform_4, window_bounds = array<i64: 1, 1>}, {transform_indices = @transform_5, window_bounds = array<i64: 16384, 1>}]} {
    %get3A = arith.constant 0 : index
    %get3A_0 = arith.constant 0 : index
    %get3A_1 = vector.load %arg1[%get3A, %get3A_0] : memref<16384x256xf32, #tpu.memory_space<vmem>>, vector<16384x256xf32>
    %convert_element_type3A = arith.truncf %get3A_1 : vector<16384x256xf32> to vector<16384x256xbf16>
    %get3A_2 = arith.constant 0 : index
    %get3A_3 = arith.constant 0 : index
    %get3A_4 = vector.load %arg2[%get3A_2, %get3A_3] : memref<256x128xf32, #tpu.memory_space<vmem>>, vector<256x128xf32>
    %convert_element_type3A_5 = arith.truncf %get3A_4 : vector<256x128xf32> to vector<256x128xbf16>
    %dot_general3A = arith.constant dense<0.000000e+00> : vector<16384x128xf32>
    %dot_general3A_6 = tpu.matmul %convert_element_type3A, %convert_element_type3A_5, %dot_general3A {dimension_numbers = #tpu.dot_dimension_numbers<[1], [0], [0], [1], [0, 0, 1, 1], [], []>, transpose_lhs_hint = false} : vector<16384x256xbf16>, vector<256x128xbf16>, vector<16384x128xf32> -> vector<16384x128xf32>
    %get3A_7 = arith.constant 0 : index
    %get3A_8 = arith.constant 0 : index
    %get3A_9 = vector.load %arg3[%get3A_7, %get3A_8] : memref<1x128xf32, #tpu.memory_space<vmem>>, vector<1x128xf32>
    %add3A = vector.broadcast %get3A_9 : vector<1x128xf32> to vector<16384x128xf32>
    %add3A_10 = arith.addf %dot_general3A_6, %add3A : vector<16384x128xf32>
    %logistic3A = arith.negf %add3A_10 : vector<16384x128xf32>
    %logistic3A_11 = math.exp %logistic3A : vector<16384x128xf32>
    %logistic3A_12 = arith.constant 1.000000e+00 : f32
    %logistic3A_13 = vector.broadcast %logistic3A_12 : f32 to vector<16384x128xf32>
    %logistic3A_14 = arith.addf %logistic3A_13, %logistic3A_11 : vector<16384x128xf32>
    %logistic3A_15 = arith.divf %logistic3A_13, %logistic3A_14 : vector<16384x128xf32>
    %mul3A = arith.mulf %add3A_10, %logistic3A_15 : vector<16384x128xf32>
    %get3A_16 = arith.constant 0 : index
    %get3A_17 = arith.constant 0 : index
    %get3A_18 = vector.load %arg4[%get3A_16, %get3A_17] : memref<128x1xf32, #tpu.memory_space<vmem>>, vector<128x1xf32>
    %dot_general3A_19 = arith.constant dense<0.000000e+00> : vector<16384x1xf32>
    %dot_general3A_20 = tpu.matmul %mul3A, %get3A_18, %dot_general3A_19 {dimension_numbers = #tpu.dot_dimension_numbers<[1], [0], [0], [1], [0, 0, 1, 1], [], []>, transpose_lhs_hint = false} : vector<16384x128xf32>, vector<128x1xf32>, vector<16384x1xf32> -> vector<16384x1xf32>
    %get3A_21 = arith.constant 0 : index
    %get3A_22 = arith.constant 0 : index
    %get3A_23 = vector.load %arg5[%get3A_21, %get3A_22] : memref<1x1xf32, #tpu.memory_space<vmem>>, vector<1x1xf32>
    %add3A_24 = vector.broadcast %get3A_23 : vector<1x1xf32> to vector<16384x1xf32>
    %add3A_25 = arith.addf %dot_general3A_20, %add3A_24 : vector<16384x1xf32>
    %swap3A = arith.constant 0 : index
    %swap3A_26 = arith.constant 0 : index
    %swap3A_27 = vector.load %arg6[%swap3A, %swap3A_26] : memref<16384x1xf32, #tpu.memory_space<vmem>>, vector<16384x1xf32>
    tpu.vector_store %arg6[%swap3A, %swap3A_26], %add3A_25 {strides = array<i32>} : memref<16384x1xf32, #tpu.memory_space<vmem>>, vector<16384x1xf32>,
    return
  }
  func.func @transform_0(%arg0: i32) -> (i32, i32) {
    %c0_i32 = arith.constant 0 : i32
    %c0_i32_0 = arith.constant 0 : i32
    return %arg0, %c0_i32 : i32, i32
  }
  func.func @transform_1(%arg0: i32) -> (i32, i32) {
    %c0_i32 = arith.constant 0 : i32
    %c0_i32_0 = arith.constant 0 : i32
    %c0_i32_1 = arith.constant 0 : i32
    return %c0_i32, %c0_i32_0 : i32, i32
  }
  func.func @transform_2(%arg0: i32) -> (i32, i32) {
    %c0_i32 = arith.constant 0 : i32
    %c0_i32_0 = arith.constant 0 : i32
    %c0_i32_1 = arith.constant 0 : i32
    return %c0_i32, %c0_i32_0 : i32, i32
  }
  func.func @transform_3(%arg0: i32) -> (i32, i32) {
    %c0_i32 = arith.constant 0 : i32
    %c0_i32_0 = arith.constant 0 : i32
    %c0_i32_1 = arith.constant 0 : i32
    return %c0_i32, %c0_i32_0 : i32, i32
  }
  func.func @transform_4(%arg0: i32) -> (i32, i32) {
    %c0_i32 = arith.constant 0 : i32
    %c0_i32_0 = arith.constant 0 : i32
    %c0_i32_1 = arith.constant 0 : i32
    return %c0_i32, %c0_i32_0 : i32, i32
  }
  func.func @transform_5(%arg0: i32) -> (i32, i32) {
    %c0_i32 = arith.constant 0 : i32
    %c0_i32_0 = arith.constant 0 : i32
    return %arg0, %c0_i32 : i32, i32
  }
}

</mosaic_0001>

<sc_bundles>
// kernel: kernel.4.cloned.1.call-start
scs
__scs_entry_jumppad:
0x0: {  	(pc) =	sbr.rel $0x88, $3  }
0x1: {  	(tag) =	ssettag $0x0;
	lr =	simm.s32 $0x1  }
0x2: {  	[smem:$0x3F9B] =	sst lr;
	_ =	strace $0xD0000000  }
0x3: {  	_ = 	snop  }
0x4: {  	_ = 	snop  }
0x5: {  	_ = 	snop  }
0x6: {  	_ = 	snop  }
0x7: {  	_ = 	snop  }
__scs_overlays_trampoline_lowered:
0x8: {  	[smem:$0x3FAA] =	sst s0  }
0x9: {  	[smem:$0x3FAB] =	sst s1  }
0xa: {  	[smem:$0x3FAC] =	sst s2  }
0xb: {  	[smem:$0x3FAD] =	sst s3  }
0xc: {  	[smem:$0x3FAE] =	sst s4  }
0xd: {  	[smem:$0x3FAF] =	sst s5  }
0xe: {  	[smem:$0x3FB0] =	sst s6  }
0xf: {  	[smem:$0x3FB1] =	sst s7  }
0x10: {  	[smem:$0x3FB2] =	sst s8  }
0x11: {  	[smem:$0x3FB3] =	sst s9;
	s0 =	simm.s32 @!p0 $0x0  }
0x12: {  	s1 =	sld [smem:$0x3F99];
	s0 =	simm.s32 @p0 $0x1  }
0x13: {  	[smem:$0x3FB4] =	sst s0;
	s0 =	simm.s32 @!p1 $0x0  }
0x14: {  	s2 =	sld [smem:$0x3F98];
	s0 =	simm.s32 @p1 $0x1  }
0x15: {  	[smem:$0x3FB5] =	sst s0;
	s0 =	simm.s32 @!p2 $0x0  }
0x16: {  	s3 =	sld [smem:$0x3FDB];
	s0 =	simm.s32 @p2 $0x1  }
0x17: {  	s4 =	simm.s32 $0x1BF5;
	[smem:$0x3FB7] =	sst s0  }
0x18: {  	s0 =	sld [smem:$0x3F9A];
	_ =	swait.ge [sflag:s4], $0x0  }
0x19: {  	s7 =	sld [smem:$0x3F9B]  }
0x1a: {  	s8 =	sadd.s32 $0xFFFFE003, lr  }
0x1b: {  	s9 =	sadd.s32 $0xFFFFFEF7, lr;
	s5 =	simm.s32 $0xFFFFFFFF;
	p2 =	slt.u32 s8, $0xFFFFF086  }
0x1c: {  	p1 =	slt.u32 s9, $0xF7A;
	s5 =	simm.s32 @!p2 $0x0  }
0x1d: {  	s5 =	simm.s32 @p1 $0x1;
	p0 =	seq.s32 s7, s2  }
0x1e: {  	s7 =	smul.u32 @!p0 $0xF7A, s2;
	p2 =	seq.s32 @!p0 s5, $0x0  }
0x1f: {  	s9 =	smul.u32 $0xF7A, s1;
	s8 =	simm.s32 @!p0 $0x1BF5;
	p2 =	por !p2, p0  }
0x20: {  	[sflag:s8] =	ssyncset.s32 @!p0 $0xFFFFF086;
	s6 =	sadd.s32 @!p0 s3, s7;
	s7 =	simm.s32 @!p0 $0x108  }
0x21: {  	s3 =	sadd.s32 s3, s9;
	s6 =	sadd.s32 @!p0 $0x88, s6;
	s7 =	simm.s32 @p2 $0x1082  }
0x22: {  	[simem:s7], [sflag:s8] =	dma.local @!p0 [hbm:s6], $0xF7A  }
0x23: {  	s9 =	sor.u32 $0xD0000000, s2;
	s6 =	simm.s32 $0x108;
	_ =	swait.ge @!p0 [sflag:s8], $0x0  }
0x24: {  	s3 =	sadd.s32 $0x88, s3;
	s6 =	simm.s32 @!p1 $0x1082;
	[sflag:s4] =	ssyncset.s32 $0xFFFFF086  }
0x25: {  	[simem:s6], [sflag:s4] =	dma.local [hbm:s3], $0xF7A  }
0x26: {  	[smem:$0x3F9B] =	sst s1;
	(tag) =	ssettag s2;
	_ =	strace s9  }
0x27: {  	s1 =	sld [smem:$0x3FAB]  }
0x28: {  	s2 =	sld [smem:$0x3FAC]  }
0x29: {  	s4 =	sld [smem:$0x3FAE]  }
0x2a: {  	p0 =	seq.s32 s5, $0x0;
	s5 =	sld [smem:$0x3FAF]  }
0x2b: {  	s6 =	sld [smem:$0x3FB0]  }
0x2c: {  	s7 =	sld [smem:$0x3FB1]  }
0x2d: {  	s3 =	simm.s32 $0x108;
	s8 =	sld [smem:$0x3FB2]  }
0x2e: {  	s3 =	simm.s32 @!p0 $0x1082;
	s9 =	sld [smem:$0x3FB3]  }
0x2f: {  	lr =	sadd.s32 s0, s3;
	s0 =	sld [smem:$0x3FAA]  }
0x30: {  	s3 =	sld [smem:$0x3FAD]  }
0x31: {  	[smem:$0x3FB6] =	sst s10  }
0x32: {  	s10 =	sld [smem:$0x3FB4];
	_ =	sdelay $0x3  }
0x33: {  	p0 =	seq.s32 s10, $0x1;
	s10 =	sld [smem:$0x3FB6];
	_ =	sdelay $0x3  }
0x34: {  	[smem:$0x3FB6] =	sst s10  }
0x35: {  	s10 =	sld [smem:$0x3FB5];
	_ =	sdelay $0x3  }
0x36: {  	p1 =	seq.s32 s10, $0x1;
	s10 =	sld [smem:$0x3FB6];
	_ =	sdelay $0x3  }
0x37: {  	[smem:$0x3FB6] =	sst s10  }
0x38: {  	s10 =	sld [smem:$0x3FB7]  }
0x39: {  	_ = 	snop;
	(pc) =	sbr.ind lr, $3  }
0x3a: {  	_ = 	snop  }
0x3b: {  	_ = 	snop  }
0x3c: {  	p2 =	seq.s32 s10, $0x1;
	s10 =	sld [smem:$0x3FB6]  }
0x3d: {  	_ =	shalt  }
0x3e: {  	_ =	shalt  }
0x3f: {  	_ =	shalt  }
0x40: {  	_ =	shalt  }
0x41: {  	_ =	shalt  }
0x42: {  	_ =	shalt  }
0x43: {  	_ =	shalt  }
0x44: {  	_ =	shalt  }
0x45: {  	_ =	shalt  }
0x46: {  	_ =	shalt  }
0x47: {  	_ =	shalt  }
0x48: {  	_ =	shalt  }
0x49: {  	_ =	shalt  }
0x4a: {  	_ =	shalt  }
0x4b: {  	_ =	shalt  }
0x4c: {  	_ =	shalt  }
0x4d: {  	_ =	shalt  }
0x4e: {  	_ =	shalt  }
0x4f: {  	_ =	shalt  }
0x50: {  	_ =	shalt  }
0x51: {  	_ =	shalt  }
0x52: {  	_ =	shalt  }
0x53: {  	_ =	shalt  }
0x54: {  	_ =	shalt  }
0x55: {  	_ =	shalt  }
0x56: {  	_ =	shalt  }
0x57: {  	_ =	shalt  }
0x58: {  	_ =	shalt  }
0x59: {  	_ =	shalt  }
0x5a: {  	_ =	shalt  }
0x5b: {  	_ =	shalt  }
0x5c: {  	_ =	shalt  }
0x5d: {  	_ =	shalt  }
0x5e: {  	_ =	shalt  }
0x5f: {  	_ =	shalt  }
0x60: {  	_ =	shalt  }
0x61: {  	_ =	shalt  }
0x62: {  	_ =	shalt  }
0x63: {  	_ =	shalt  }
0x64: {  	_ =	shalt  }
0x65: {  	_ =	shalt  }
0x66: {  	_ =	shalt  }
0x67: {  	_ =	shalt  }
0x68: {  	_ =	shalt  }
0x69: {  	_ =	shalt  }
0x6a: {  	_ =	shalt  }
0x6b: {  	_ =	shalt  }
0x6c: {  	_ =	shalt  }
0x6d: {  	_ =	shalt  }
0x6e: {  	_ =	shalt  }
0x6f: {  	_ =	shalt  }
0x70: {  	_ =	shalt  }
0x71: {  	_ =	shalt  }
0x72: {  	_ =	shalt  }
0x73: {  	_ =	shalt  }
0x74: {  	_ =	shalt  }
0x75: {  	_ =	shalt  }
0x76: {  	_ =	shalt  }
0x77: {  	_ =	shalt  }
0x78: {  	_ =	shalt  }
0x79: {  	_ =	shalt  }
0x7a: {  	_ =	shalt  }
0x7b: {  	_ =	shalt  }
0x7c: {  	_ =	shalt  }
0x7d: {  	_ =	shalt  }
0x7e: {  	_ =	shalt  }
0x7f: {  	_ =	shalt  }
0x80: {  	_ =	shalt  }
0x81: {  	_ =	shalt  }
0x82: {  	_ =	shalt  }
0x83: {  	_ =	shalt  }
0x84: {  	_ =	shalt  }
0x85: {  	_ =	shalt  }
0x86: {  	_ =	shalt  }
0x87: {  	_ =	shalt  }
.Lfunc_end0:
.L_simem_size_0:
called_computation_lowered:
.L_overlay_start_0:
0x88: {  	s0 =	sld [smem:$0x3FD9]  }
0x89: {  	s1 =	sld [smem:$0x3FFE];
	_ =	sdelay $0x3  }
0x8a: {  	s0 =	sadd.s32 s1, s0  }
0x8b: {  	[smem:$0x3FC2] =	sst s0  }
0x8c: {  	_ = 	snop  }
0x8d: {  	s0 =	sld [smem:$0x3FC8]  }
0x8e: {  	s16 =	sld [smem:$0x3FD0];
	(tm) =	ssettm $0x1  }
0x8f: {  	s2 =	sld [smem:$0x3FFB];
	_ =	sdelay $0x3  }
0x90: {  	_ =	strace s2  }
0x91: {  	s2 =	sld [smem:$0x3FFC];
	_ =	sdelay $0x3  }
0x92: {  	_ =	strace s2  }
0x93: {  	s2 =	sld [smem:$0x3FFD];
	_ =	sdelay $0x3  }
0x94: {  	_ =	strace s2  }
0x95: {  	_ =	strace $0x8FFFFFFF  }
0x96: {  	s17 =	sld [smem:$0x3FDB];
	_ =	sdelay $0x1  }
0x97: {  	s3 =	simm.s32 $_scs_section_size  }
0x98: {  	s4 =	simm.s32 $_size__tile_overlayer_lowered;
	s5 =	simm.s32 $_tile_overlayer_lowered  }
0x99: {  	s20 =	simm.s32 $0x1BFF;
	s19 =	sshll.u32 s5, $0x1;
	s2 =	sadd.s32 s3, s17  }
0x9a: {  	s6 =	simm.s32 $0x0;
	s18 =	sshll.u32 s4, $0x1;
	s4 =	sadd.s32 s19, s2  }
0x9b: {  	[timem:s6], [sflag:s20] =	dma.local [hbm:s4], s18  }
0x9c: {  	_ =	swait.ge [sflag:s20], s18  }
0x9d: {  	s3 =	ssub.s32 $0x0, s18;
	[sflag:s20] =	ssyncset.done $0x0  }
0x9e: {  	[sflag:s20] =	ssyncadd.s32 s3;
	_ =	sdelay $0x1  }
0x9f: {  	s21 =	simm.s32 $0x1B8B  }
0xa0: {  	_ =	swait.ge [sflag:s21], $0x1  }
0xa1: {  	[sflag:s21] =	ssyncset.done $0x0  }
0xa2: {  	s23 =	simm.s32 $0x1B8E;
	s22 =	sld [smem:$0x3FFE];
	[sflag:s21] =	ssyncadd.s32 $0xFFFFFFFF  }
0xa3: {  	s24 =	simm.s32 $execute0_lowered;
	[smem:$0x3FD2] =	sst s23  }
0xa4: {  	s4 =	sshll.u32 s24, $0x1;
	_ =	strace $0x80000046;
	[dreg:$0x1] =	wrdreg $0xFFFFFFFF  }
0xa5: {  	s25 =	simm.s32 $_size_execute0_lowered;
	s2 =	sadd.s32 s2, s4;
	[dreg:$0x0] =	wrdreg $0x0  }
0xa6: {  	s4 =	sshll.u32 s25, $0x1;
	[dreg:$0x2] =	wrdreg s2  }
0xa7: {  	[dreg:$0x3] =	wrdreg s4  }
0xa8: {  	[dreg:$0x4] =	wrdreg $0xC0  }
0xa9: {  	_ =	task [dreg:s6], $0x5FFFF  }
0xaa: {  	[dreg:$0x1] =	wrdreg $0xFFFFFFFF  }
0xab: {  	[dreg:$0x0] =	wrdreg $0x60  }
0xac: {  	[dreg:$0x2] =	wrdreg s22  }
0xad: {  	[dreg:$0x3] =	wrdreg s0  }
0xae: {  	[dreg:$0x4] =	wrdreg s16  }
0xaf: {  	[dreg:$0x5] =	wrdreg $0x19000  }
0xb0: {  	[dreg:$0x6] =	wrdreg $0x9  }
0xb1: {  	_ =	task.clear_ibuf [dreg:s6], $0x7FFFF;
	_ =	strace $0x90000046  }
0xb2: {  	s26 =	simm.s32 $0x9;
	_ =	strace $0x80000048  }
0xb3: {  	_ =	swait.ge [sflag:s26], $0x1  }
0xb4: {  	[sflag:s26] =	ssyncadd.s32 $0xFFFFFFFF  }
0xb5: {  	_ =	strace $0x90000048  }
0xb6: {  	_ =	sfence  }
0xb7: {  	s28 =	sld [smem:$0x0];
	_ =	sdelay $0x1  }
0xb8: {  	s29 =	srdreg.scid  }
0xb9: {  	s30 =	sshll.u32 s29, $0xD;
	s31 =	sshrl.u32 s29, $0x2  }
0xba: {  	s1 =	sand.u32 $0x1, s29;
	s2 =	sand.u32 $0x4000, s30;
	s0 =	sadd.s32 s31, s28  }
0xbb: {  	s1 =	sor.u32 s2, s1;
	s0 =	sshll.u32 s0, $0x11  }
0xbc: {  	s0 =	sor.u32 s0, s1  }
0xbd: {  	s0 =	sadd.s32 $0x8F2B, s0  }
0xbe: {  	[sflag:s0] =	ssyncadd.remote.s32 $0x1  }
0xbf: {  	_ =	sfence.sel $0xFFFF  }
0xc0: {  	[dreg:$0x0] =	wrdreg $0xFFFFFFFF;
	(pc) =	sbr.abs _section_cstart, $3  }
0xc1: {  	[dreg:$0x1] =	wrdreg $0xFFFFFFFF  }
0xc2: {  	_ =	task.clear_ibuf [dreg:s6], $0x2FFFF;
	_ =	strace $0x9FFFFFFF  }
0xc3: {  	(tm) =	ssettm $0x7FFFFFFF  }
tec
execute0_lowered:
.L_overlay_start_1:
0x0: {  	(tag) =	ssettag $0x1  }
0x1: {  	s4 =	rddreg [dreg:$0x0]  }
0x2: {  	s5 =	rddreg [dreg:$0x1]  }
0x3: {  	s1 =	rddreg [dreg:$0x2];
	s3 =	stileid.u32  }
0x4: {  	s2 =	rddreg [dreg:$0x3];
	s6 =	simm.s32 $0x0;
	s7 =	sshll.u32 s3, $0x8  }
0x5: {  	[smem:$0x7FF] =	sst s6;
	s4 =	sadd.s32 s7, s4  }
0x6: {  	s0 =	rddreg [dreg:$0x4];
	_ =	strace $0x80000047;
	s4 =	sadd.s32 $0x80800, s4  }
0x7: {  	[tilespmem:s6], [sflag:$0x1] =	stream.linear.gather [hbm4b:s4+s6], $0x800, $0x38;
	[tilespmem:$0x1980] =	vst v63  }
0x8: {  	s29 =	simm.s32 $0x800;
	s28 =	sadd.s32 s5, s7  }
0x9: {  	v0 =	vimm.f32 $0.0e+00;
	[tilespmem:s29], [sflag:$0x2] =	stream.linear.gather [hbm4b:s28+s6], $0x800, $0x38;
	[tilespmem:$0x1980] =	vst v63  }
0xa: {  	[tilespmem:$0x1000] =	vst v0  }
0xb: {  	[tilespmem:$0x1080] =	vst v0  }
0xc: {  	[tilespmem:$0x1010] =	vst v0  }
0xd: {  	[tilespmem:$0x1090] =	vst v0  }
0xe: {  	[tilespmem:$0x1020] =	vst v0  }
0xf: {  	[tilespmem:$0x10A0] =	vst v0  }
0x10: {  	[tilespmem:$0x1030] =	vst v0  }
0x11: {  	[tilespmem:$0x10B0] =	vst v0  }
0x12: {  	[tilespmem:$0x1040] =	vst v0  }
0x13: {  	[tilespmem:$0x10C0] =	vst v0  }
0x14: {  	[tilespmem:$0x1050] =	vst v0  }
0x15: {  	[tilespmem:$0x10D0] =	vst v0  }
0x16: {  	[tilespmem:$0x1060] =	vst v0  }
0x17: {  	[tilespmem:$0x10E0] =	vst v0  }
0x18: {  	[tilespmem:$0x1070] =	vst v0  }
0x19: {  	s30 =	simm.s32 $0x1;
	[tilespmem:$0x10F0] =	vst v0  }
0x1a: {  	_ =	swait.ge [sflag:s30], $0x800  }
0x1b: {  	[sflag:s30] =	ssyncset.done $0x0  }
0x1c: {  	s31 =	simm.s32 $0x2;
	[sflag:s30] =	ssyncadd.s32 $0xFFFFF800  }
0x1d: {  	s8 =	simm.s32 $0x1080;
	_ =	swait.ge [sflag:s31], $0x800  }
0x1e: {  	s5 =	simm.s32 $0x880;
	s7 =	simm.s32 $0x1000;
	[sflag:s31] =	ssyncset.done $0x0  }
0x1f: {  	s4 =	simm.s32 $0xFFFFFFF8;
	s6 =	simm.s32 $0x80;
	[sflag:s31] =	ssyncadd.s32 $0xFFFFF800  }
.LBB2_1:
0x20: {  	v0 =	vld [tilespmem:s5+$0xFFFFFF80];
	_ =	sdelay $0x2  }
0x21: {  	v1 =	vld [tilespmem:s6+$0xFFFFFF80];
	_ =	sdelay $0x4  }
0x22: {  	[tilespmem:v0+s7+$0x0] =	vst.idx.add.f32.msk $0xffff, v1  }
0x23: {  	v0 =	vld [tilespmem:s5+$0xFFFFFF90];
	_ =	sdelay $0x2  }
0x24: {  	v1 =	vld [tilespmem:s6+$0xFFFFFF90];
	_ =	sdelay $0x4  }
0x25: {  	[tilespmem:v0+s8+$0x0] =	vst.idx.add.f32.msk $0xffff, v1  }
0x26: {  	v0 =	vld [tilespmem:s5+$0xFFFFFFA0];
	_ =	sdelay $0x2  }
0x27: {  	v1 =	vld [tilespmem:s6+$0xFFFFFFA0];
	_ =	sdelay $0x4  }
0x28: {  	[tilespmem:v0+s7+$0x0] =	vst.idx.add.f32.msk $0xffff, v1  }
0x29: {  	v0 =	vld [tilespmem:s5+$0xFFFFFFB0];
	_ =	sdelay $0x2  }
0x2a: {  	v1 =	vld [tilespmem:s6+$0xFFFFFFB0];
	_ =	sdelay $0x4  }
0x2b: {  	[tilespmem:v0+s8+$0x0] =	vst.idx.add.f32.msk $0xffff, v1  }
0x2c: {  	v0 =	vld [tilespmem:s5+$0xFFFFFFC0];
	_ =	sdelay $0x2  }
0x2d: {  	v1 =	vld [tilespmem:s6+$0xFFFFFFC0];
	_ =	sdelay $0x4  }
0x2e: {  	[tilespmem:v0+s7+$0x0] =	vst.idx.add.f32.msk $0xffff, v1  }
0x2f: {  	v0 =	vld [tilespmem:s5+$0xFFFFFFD0];
	_ =	sdelay $0x2  }
0x30: {  	v1 =	vld [tilespmem:s6+$0xFFFFFFD0];
	_ =	sdelay $0x4  }
0x31: {  	[tilespmem:v0+s8+$0x0] =	vst.idx.add.f32.msk $0xffff, v1  }
0x32: {  	v0 =	vld [tilespmem:s5+$0xFFFFFFE0];
	_ =	sdelay $0x2  }
0x33: {  	v1 =	vld [tilespmem:s6+$0xFFFFFFE0];
	_ =	sdelay $0x4  }
0x34: {  	[tilespmem:v0+s7+$0x0] =	vst.idx.add.f32.msk $0xffff, v1  }
0x35: {  	v0 =	vld [tilespmem:s5+$0xFFFFFFF0];
	_ =	sdelay $0x2  }
0x36: {  	v1 =	vld [tilespmem:s6+$0xFFFFFFF0];
	_ =	sdelay $0x4  }
0x37: {  	[tilespmem:v0+s8+$0x0] =	vst.idx.add.f32.msk $0xffff, v1  }
0x38: {  	v0 =	vld [tilespmem:s5+$0x0];
	_ =	sdelay $0x2  }
0x39: {  	v1 =	vld [tilespmem:s6+$0x0];
	_ =	sdelay $0x4  }
0x3a: {  	[tilespmem:v0+s7+$0x0] =	vst.idx.add.f32.msk $0xffff, v1  }
0x3b: {  	v0 =	vld [tilespmem:s5+$0x10];
	_ =	sdelay $0x2  }
0x3c: {  	v1 =	vld [tilespmem:s6+$0x10];
	_ =	sdelay $0x4  }
0x3d: {  	[tilespmem:v0+s8+$0x0] =	vst.idx.add.f32.msk $0xffff, v1  }
0x3e: {  	v0 =	vld [tilespmem:s5+$0x20];
	_ =	sdelay $0x2  }
0x3f: {  	v1 =	vld [tilespmem:s6+$0x20];
	_ =	sdelay $0x4  }
0x40: {  	[tilespmem:v0+s7+$0x0] =	vst.idx.add.f32.msk $0xffff, v1  }
0x41: {  	v0 =	vld [tilespmem:s5+$0x30];
	_ =	sdelay $0x2  }
0x42: {  	v1 =	vld [tilespmem:s6+$0x30];
	_ =	sdelay $0x4  }
0x43: {  	[tilespmem:v0+s8+$0x0] =	vst.idx.add.f32.msk $0xffff, v1  }
0x44: {  	v0 =	vld [tilespmem:s5+$0x40];
	_ =	sdelay $0x2  }
0x45: {  	v1 =	vld [tilespmem:s6+$0x40];
	_ =	sdelay $0x4  }
0x46: {  	[tilespmem:v0+s7+$0x0] =	vst.idx.add.f32.msk $0xffff, v1  }
0x47: {  	v0 =	vld [tilespmem:s5+$0x50];
	_ =	sdelay $0x2  }
0x48: {  	v1 =	vld [tilespmem:s6+$0x50];
	_ =	sdelay $0x4  }
0x49: {  	[tilespmem:v0+s8+$0x0] =	vst.idx.add.f32.msk $0xffff, v1  }
0x4a: {  	v0 =	vld [tilespmem:s5+$0x60];
	_ =	sdelay $0x2  }
0x4b: {  	v1 =	vld [tilespmem:s6+$0x60];
	_ =	sdelay $0x4  }
0x4c: {  	[tilespmem:v0+s7+$0x0] =	vst.idx.add.f32.msk $0xffff, v1  }
0x4d: {  	v0 =	vld [tilespmem:s5+$0x70];
	_ =	sdelay $0x1  }
0x4e: {  	s4 =	sadd.s32 $0x8, s4  }
0x4f: {  	p0 =	slt.u32 s4, $0x38;
	v1 =	vld [tilespmem:s6+$0x70]  }
.Ltmp0:
0x50: {  	_ = 	snop;
	(pc) =	sbr.rel @p0 .LBB2_1-.Ltmp0, $2  }
0x51: {  	_ =	sdelay $0x2  }
0x52: {  	s5 =	sadd.s32 $0x100, s5;
	s6 =	sadd.s32 $0x100, s6;
	[tilespmem:v0+s8+$0x0] =	vst.idx.add.f32.msk $0xffff, v1  }
0x53: {  	v0 =	vld [tilespmem:$0x1000]  }
0x54: {  	v1 =	vld [tilespmem:$0x1080];
	_ =	sdelay $0x4  }
0x55: {  	v0 =	vadd.f32 v1, v0  }
0x56: {  	s4 =	sshll.u32 s3, $0x7  }
0x57: {  	s5 =	simm.s32 $0x1000;
	s31 =	simm.s32 $0x3;
	s4 =	sadd.s32 s4, s2;
	[tilespmem:$0x1000] =	vst v0  }
0x58: {  	[spmem:s4] =	stream.linear.scatter [tilespmem:s5], [sflag:$0x3], $0x80, $0x38;
	[tilespmem:$0x1980] =	vst v63  }
0x59: {  	_ =	swait.ge [sflag:s31], $0x80  }
0x5a: {  	[sflag:s31] =	ssyncset.done $0x0  }
0x5b: {  	[sflag:s31] =	ssyncadd.s32 $0xFFFFFF80  }
0x5c: {  	p0 =	sne.s32 s3, $0x0;
	[bflag:$0x0] =	sbarrier.arrive $0xFFFF  }
0x5d: {  	_ =	sfence.sel @p0 $0x180000  }
0x5e: {  	[bflag:$0x0] =	sbarrier.arrive @p0 $0xFFFF  }
0x5f: {  	_ =	strace @p0 $0x90000047  }
0x60: {  	s3 =	simm.s32 @!p0 $0x1100;
	[bflag:$0x2] =	sbarrier.arrive @p0 $0xFFFF  }
0x61: {  	[tilespmem:s3], [sflag:$0x3] =	stream.linear.gather @!p0 [spmem:s2], $0x800, $0x38;
	[tilespmem:$0x1980] =	vst v63  }
0x62: {  	s2 =	simm.s32 @!p0 $0x3  }
0x63: {  	_ =	swait.ge @!p0 [sflag:s2], $0x800  }
0x64: {  	[sflag:s2] =	ssyncset.done @!p0 $0x0  }
0x65: {  	[sflag:s2] =	ssyncadd.s32 @!p0 $0xFFFFF800  }
0x66: {  	v0 =	vld @!p0 [tilespmem:$0x1100]  }
0x67: {  	v1 =	vld @!p0 [tilespmem:$0x1180];
	_ =	sdelay $0x1  }
0x68: {  	v2 =	vld @!p0 [tilespmem:$0x1200];
	_ =	sdelay $0x1  }
0x69: {  	v3 =	vld @!p0 [tilespmem:$0x1280]  }
0x6a: {  	v0 =	vadd.f32 @!p0 v1, v0  }
0x6b: {  	v1 =	vld @!p0 [tilespmem:$0x1300]  }
0x6c: {  	v0 =	vadd.f32 @!p0 v2, v0  }
0x6d: {  	v2 =	vld @!p0 [tilespmem:$0x1380]  }
0x6e: {  	v0 =	vadd.f32 @!p0 v3, v0  }
0x6f: {  	v3 =	vld @!p0 [tilespmem:$0x1400]  }
0x70: {  	v0 =	vadd.f32 @!p0 v1, v0  }
0x71: {  	v1 =	vld @!p0 [tilespmem:$0x1480]  }
0x72: {  	v0 =	vadd.f32 @!p0 v2, v0  }
0x73: {  	v2 =	vld @!p0 [tilespmem:$0x1500]  }
0x74: {  	v0 =	vadd.f32 @!p0 v3, v0  }
0x75: {  	v3 =	vld @!p0 [tilespmem:$0x1580]  }
0x76: {  	v0 =	vadd.f32 @!p0 v1, v0  }
0x77: {  	v1 =	vld @!p0 [tilespmem:$0x1600]  }
0x78: {  	v0 =	vadd.f32 @!p0 v2, v0  }
0x79: {  	v2 =	vld @!p0 [tilespmem:$0x1680]  }
0x7a: {  	v0 =	vadd.f32 @!p0 v3, v0  }
0x7b: {  	v3 =	vld @!p0 [tilespmem:$0x1700]  }
0x7c: {  	v0 =	vadd.f32 @!p0 v1, v0  }
0x7d: {  	v1 =	vld @!p0 [tilespmem:$0x1780]  }
0x7e: {  	v0 =	vadd.f32 @!p0 v2, v0  }
0x7f: {  	v2 =	vld @!p0 [tilespmem:$0x1800]  }
0x80: {  	v0 =	vadd.f32 @!p0 v3, v0  }
0x81: {  	v3 =	vld @!p0 [tilespmem:$0x1880]  }
0x82: {  	v0 =	vadd.f32 @!p0 v1, v0;
	_ =	sdelay $0x1  }
0x83: {  	v0 =	vadd.f32 @!p0 v2, v0;
	_ =	sdelay $0x1  }
0x84: {  	v0 =	vadd.f32 @!p0 v3, v0;
	_ =	sdelay $0x1  }
0x85: {  	s4 =	simm.s32 @!p0 $0x1000;
	s3 =	simm.s32 @!p0 $0x0;
	[tilespmem:$0x1000] =	vst @!p0 v0  }
0x86: {  	[hbm4b:s1+s3] =	stream.linear.scatter @!p0 [tilespmem:s4], [sflag:$0x3], $0x10, $0x38;
	[tilespmem:$0x1980] =	vst v63  }
0x87: {  	_ =	swait.ge @!p0 [sflag:s2], $0x10  }
0x88: {  	[sflag:s2] =	ssyncset.done @!p0 $0x0  }
0x89: {  	[sflag:s2] =	ssyncadd.s32 @!p0 $0xFFFFFFF0  }
0x8a: {  	_ =	sfence.sel @!p0 $0x180000  }
0x8b: {  	[bflag:$0x0] =	sbarrier.arrive @!p0 $0xFFFF  }
0x8c: {  	_ =	strace @!p0 $0x90000047  }
0x8d: {  	s0 =	sadd.s32 @!p0 $0x100000, s0;
	[bflag:$0x2] =	sbarrier.arrive @!p0 $0xFFFF  }
0x8e: {  	[sflag:s0] =	ssyncadd.tile.s32 @!p0 $0x1;
	_ =	shalt  }
.Lfunc_end2:
_tile_overlayer_lowered:
.L_overlay_start_2:
0x8f: {  	(tag) =	ssettag $0x2  }
0x90: {  	s0 =	rddreg [dreg:$0x0];
	s2 =	stileid.u32  }
0x91: {  	s1 =	rddreg [dreg:$0x1];
	p0 =	sne.s32 s2, $0x0  }
0x92: {  	s3 =	rddreg [dreg:$0x2];
	[bflag:$0x3] =	sbarrier.arrive $0xFFFF;
	s2 =	simm.s32 @!p0 $0x1C03  }
0x93: {  	[timem:s3], [sflag:s2] =	dma.local @!p0 [hbm:s0], s1  }
0x94: {  	s0 =	simm.s32 @!p0 $0x3  }
0x95: {  	_ =	swait.ge @!p0 [sflag:s0], s1  }
0x96: {  	s1 =	ssub.s32 @!p0 $0x0, s1;
	[sflag:s0] =	ssyncset.done @!p0 $0x0  }
0x97: {  	[sflag:s0] =	ssyncadd.s32 @!p0 s1  }
0x98: {  	[bflag:$0x3] =	sbarrier.arrive $0xFFFF  }
0x99: {  	_ =	shalt  }

</sc_bundles>
